<compile_context>
chip_gen: v7x
topology: tpu7x:2x2x1
jax: 0.10.2.dev20260603
libtpu: 0.0.44.dev20260713+nightly
codegen_flags: <defaults>
</compile_context>

<pallas_src>
import functools
import jax
import jax.numpy as jnp
from jax.experimental import pallas as pl
from jax.experimental.pallas import tpu as pltpu

_RADIUS = 0.1


def _gelu(v):
    return 0.5 * v * (1.0 + jax.lax.erf(v * 0.7071067811865476))


def _conv_body(xT_ref, fT_ref, zlo_ref, zhi_ref, xbT_ref, fb_ref, WaTt_ref,
               Wab_ref, ba_ref, Wb_ref, bb_ref, out_ref, *, n_chunks, bj):
    r2 = _RADIUS * _RADIUS
    Q = jnp.dot(fb_ref[...], Wab_ref[...],
                preferred_element_type=jnp.float32) + ba_ref[...]
    xbT = xbT_ref[...]
    bi = xbT.shape[1]
    w = Q.shape[1]

    zb = xbT[2, :]
    zb_lo = jnp.min(zb)
    zb_hi = jnp.max(zb)
    c_start = jnp.sum((zhi_ref[...] < zb_lo - _RADIUS).astype(jnp.int32))
    c_end = n_chunks - jnp.sum(
        (zlo_ref[...] > zb_hi + _RADIUS).astype(jnp.int32))

    def chunk(c, carry):
        S, cnt = carry
        xj = xT_ref[:, pl.ds(c * bj, bj)]
        fj = fT_ref[:, pl.ds(c * bj, bj)]
        PjT = jnp.dot(WaTt_ref[...], fj,
                      preferred_element_type=jnp.float32)
        diff = xbT[:, :, None] - xj[:, None, :]
        d2 = jnp.sum(diff * diff, axis=0)
        m = d2 < r2
        H = _gelu(Q[:, :, None] + PjT[None, :, :])
        Hm = jnp.where(m[:, None, :], H, 0.0)
        S = S + jnp.sum(Hm, axis=2)
        cnt = cnt + jnp.sum(m.astype(jnp.float32), axis=1, keepdims=True)
        return S, cnt

    S0 = jnp.zeros((bi, w), jnp.float32)
    c0 = jnp.zeros((bi, 1), jnp.float32)
    S, cnt = jax.lax.fori_loop(c_start, c_end, chunk, (S0, c0))
    mean = S / jnp.maximum(cnt, 1.0)
    out_ref[...] = jnp.dot(mean, Wb_ref[...],
                           preferred_element_type=jnp.float32) + bb_ref[...]


def _conv(x, feat, zlo, zhi, Wa, ba, Wb, bb, bi=256, bj=256):
    n = x.shape[0]
    cf = feat.shape[1]
    w = Wa.shape[1]
    nc = n // bj
    xT = x.T
    fT = feat.T
    WaTt = Wa[:cf].T
    Wab = Wa[cf:]
    ba2 = ba.reshape(1, w)
    bb2 = bb.reshape(1, w)
    grid = n // bi
    body = functools.partial(_conv_body, n_chunks=nc, bj=bj)
    return pl.pallas_call(
        body,
        grid=(grid,),
        in_specs=[
            pl.BlockSpec((3, n), lambda i: (0, 0)),
            pl.BlockSpec((cf, n), lambda i: (0, 0)),
            pl.BlockSpec((1, nc), lambda i: (0, 0)),
            pl.BlockSpec((1, nc), lambda i: (0, 0)),
            pl.BlockSpec((3, bi), lambda i: (0, i)),
            pl.BlockSpec((bi, cf), lambda i: (i, 0)),
            pl.BlockSpec((w, cf), lambda i: (0, 0)),
            pl.BlockSpec((cf, w), lambda i: (0, 0)),
            pl.BlockSpec((1, w), lambda i: (0, 0)),
            pl.BlockSpec((w, w), lambda i: (0, 0)),
            pl.BlockSpec((1, w), lambda i: (0, 0)),
        ],
        out_specs=pl.BlockSpec((bi, w), lambda i: (i, 0)),
        out_shape=jax.ShapeDtypeStruct((n, w), jnp.float32),
    )(xT, fT, zlo, zhi, xT, feat, WaTt, Wab, ba2, Wb, bb2)


def _head_body(h_ref, wT_ref, b_ref, out_ref):
    g = _gelu(h_ref[...])
    out_ref[...] = (jnp.sum(g * wT_ref[...], axis=1, keepdims=True)
                    + b_ref[...])


def _head(h, Wout, bout):
    n, w = h.shape
    return pl.pallas_call(
        _head_body,
        in_specs=[
            pl.BlockSpec((n, w), lambda: (0, 0)),
            pl.BlockSpec((1, w), lambda: (0, 0)),
            pl.BlockSpec((1, 1), lambda: (0, 0)),
        ],
        out_specs=pl.BlockSpec((n, 1), lambda: (0, 0)),
        out_shape=jax.ShapeDtypeStruct((n, 1), jnp.float32),
    )(h, Wout.T, bout.reshape(1, 1))


def kernel(x_in, W1a, b1a, W1b, b1b, W2a, b2a, W2b, b2b, Wout, bout):
    x = jnp.squeeze(x_in)
    n = x.shape[0]
    bj = 256
    perm = jnp.argsort(x[:, 2])
    xs = x[perm]
    npad = -n % 256
    xp = jnp.concatenate(
        [xs, jnp.full((npad, x.shape[1]), 100.0, jnp.float32)], axis=0)
    zcol = xp[:, 2]
    zlo = zcol[0::bj].reshape(1, -1)
    zhi = zcol[bj - 1::bj].reshape(1, -1)
    h1 = _conv(xp, xp, zlo, zhi, W1a, b1a, W1b, b1b)
    h2 = _conv(xp, h1, zlo, zhi, W2a, b2a, W2b, b2b)
    res = _head(h2[:n], Wout, bout)
    return jnp.zeros((n, 1), jnp.float32).at[perm].set(res)

# --- scband reference (transcript-rebuilt; emitter-appended) ---
"""Pipeline reference for scband-small-cont-conv-with-mlpkernel-28269474742570 (READ-ONLY COPY).

The authoritative reference and input builder live on the scoring server;
editing this copy changes nothing except your own understanding.
"""

import jax, jax.numpy as jnp
import numpy as np

RADIUS = 0.1

def radius_neighbors(pos, radius, chunk=1000):
    # Fixed-radius neighbor search (mirrors NeighborSearchLayer). Index
    # construction is non-differentiable, done eagerly in numpy.
    pos = np.asarray(pos, dtype=np.float32)
    N = pos.shape[0]
    r2 = radius * radius
    srcs, dsts = [], []
    for start in range(0, N, chunk):
        block = pos[start:start + chunk]
        d2 = ((block[:, None, :] - pos[None, :, :]) ** 2).sum(-1)
        ii, jj = np.nonzero(d2 < r2)
        dsts.append((ii + start).astype(np.int64))
        srcs.append(jj.astype(np.int64))
    return np.concatenate(srcs), np.concatenate(dsts)

def setup_inputs(seed: int = 0):
    key = jax.random.key(seed)
    ks = jax.random.split(key, 8)
    N, Cin, W, Cout = 10000, 3, 32, 1
    x_in = jax.random.uniform(ks[0], (1, N, Cin), dtype=jnp.float32)
    def lin(k, fi, fo):
        return jax.random.normal(k, (fi, fo), dtype=jnp.float32) * (1.0 / np.sqrt(fi))
    return {
        "x_in": x_in,
        "W1a": lin(ks[1], 2 * Cin, W), "b1a": jnp.zeros((W,), jnp.float32),
        "W1b": lin(ks[2], W, W),       "b1b": jnp.zeros((W,), jnp.float32),
        "W2a": lin(ks[3], 2 * W, W),   "b2a": jnp.zeros((W,), jnp.float32),
        "W2b": lin(ks[4], W, W),       "b2b": jnp.zeros((W,), jnp.float32),
        "Wout": lin(ks[5], W, Cout),   "bout": jnp.zeros((Cout,), jnp.float32),
    }

def reference(x_in, W1a, b1a, W1b, b1b, W2a, b2a, W2b, b2b, Wout, bout):
    x = jnp.squeeze(x_in)  # [N, 3]
    N = x.shape[0]
    r2 = RADIUS * RADIUS
    B = 50  # block size over destination nodes; divides N (static from shape)
    nb = N // B

    def conv(feat, Wa, ba, Wb, bb):
        Cf = feat.shape[1]
        pos_blocks = x.reshape(nb, B, x.shape[1])
        feat_blocks = feat.reshape(nb, B, Cf)

        def body(carry, blk):
            pos_b, feat_b = blk
            d2 = ((pos_b[:, None, :] - x[None, :, :]) ** 2).sum(-1)  # [B, N]
            mask = d2 < r2
            agg = jnp.concatenate([
                jnp.broadcast_to(feat[None, :, :], (B, N, Cf)),
                jnp.broadcast_to(feat_b[:, None, :], (B, N, Cf)),
            ], axis=2)  # [B, N, 2*Cf] = concat(x_j, x_i)
            h = jax.nn.gelu(agg @ Wa + ba, approximate=False) @ Wb + bb
            s = jnp.where(mask[:, :, None], h, 0.0).sum(axis=1)  # [B, W]
            cnt = jnp.maximum(mask.sum(axis=1), 1).astype(jnp.float32)
            return carry, s / cnt[:, None]

        _, outs = jax.lax.scan(body, None, (pos_blocks, feat_blocks))
        return outs.reshape(N, outs.shape[-1])

    h1 = conv(x, W1a, b1a, W1b, b1b)
    h2 = conv(h1, W2a, b2a, W2b, b2b)
    out = jax.nn.gelu(h2, approximate=False) @ Wout + bout
    return out

if __name__ == "__main__":
    import jax
    _d = setup_inputs()
    print(jax.jit(kernel)(*tuple(_d.values())))

</pallas_src>

<mosaic_0001>
module attributes {stable_mosaic.version = 14 : i64} {
  func.func @_conv_body(%arg0: i32, %arg1: memref<3x10240xf32, #tpu.memory_space<vmem>>, %arg2: memref<3x10240xf32, #tpu.memory_space<vmem>>, %arg3: memref<1x40xf32, #tpu.memory_space<vmem>>, %arg4: memref<1x40xf32, #tpu.memory_space<vmem>>, %arg5: memref<3x256xf32, #tpu.memory_space<vmem>>, %arg6: memref<256x3xf32, #tpu.memory_space<vmem>>, %arg7: memref<32x3xf32, #tpu.memory_space<vmem>>, %arg8: memref<3x32xf32, #tpu.memory_space<vmem>>, %arg9: memref<1x32xf32, #tpu.memory_space<vmem>>, %arg10: memref<32x32xf32, #tpu.memory_space<vmem>>, %arg11: memref<1x32xf32, #tpu.memory_space<vmem>>, %arg12: memref<256x32xf32, #tpu.memory_space<vmem>>) attributes {dimension_semantics = [#tpu.dimension_semantics<arbitrary>], iteration_bounds = array<i64: 40>, scalar_prefetch = 0 : i64, scratch_operands = 0 : i64, tpu.core_type = #tpu.core_type<tc>, window_params = [{pipeline_mode = #tpu.pipeline_mode<synchronous>, transform_indices = @transform_0, window_bounds = array<i64: 3, 10240>}, {pipeline_mode = #tpu.pipeline_mode<synchronous>, transform_indices = @transform_1, window_bounds = array<i64: 3, 10240>}, {pipeline_mode = #tpu.pipeline_mode<synchronous>, transform_indices = @transform_2, window_bounds = array<i64: 1, 40>}, {pipeline_mode = #tpu.pipeline_mode<synchronous>, transform_indices = @transform_3, window_bounds = array<i64: 1, 40>}, {transform_indices = @transform_4, window_bounds = array<i64: 3, 256>}, {transform_indices = @transform_5, window_bounds = array<i64: 256, 3>}, {pipeline_mode = #tpu.pipeline_mode<synchronous>, transform_indices = @transform_6, window_bounds = array<i64: 32, 3>}, {pipeline_mode = #tpu.pipeline_mode<synchronous>, transform_indices = @transform_7, window_bounds = array<i64: 3, 32>}, {pipeline_mode = #tpu.pipeline_mode<synchronous>, transform_indices = @transform_8, window_bounds = array<i64: 1, 32>}, {pipeline_mode = #tpu.pipeline_mode<synchronous>, transform_indices = @transform_9, window_bounds = array<i64: 32, 32>}, {pipeline_mode = #tpu.pipeline_mode<synchronous>, transform_indices = @transform_10, window_bounds = array<i64: 1, 32>}, {transform_indices = @transform_11, window_bounds = array<i64: 256, 32>}]} {
    %get3A = arith.constant 0 : index
    %get3A_0 = arith.constant 0 : index
    %get3A_1 = vector.load %arg6[%get3A, %get3A_0] : memref<256x3xf32, #tpu.memory_space<vmem>>, vector<256x3xf32>
    %get3A_2 = arith.constant 0 : index
    %get3A_3 = arith.constant 0 : index
    %get3A_4 = vector.load %arg8[%get3A_2, %get3A_3] : memref<3x32xf32, #tpu.memory_space<vmem>>, vector<3x32xf32>
    %dot_general3A = arith.constant dense<0.000000e+00> : vector<256x32xf32>
    %dot_general3A_5 = tpu.matmul %get3A_1, %get3A_4, %dot_general3A {dimension_numbers = #tpu.dot_dimension_numbers<[1], [0], [0], [1], [0, 0, 1, 1], [], []>, transpose_lhs_hint = false} : vector<256x3xf32>, vector<3x32xf32>, vector<256x32xf32> -> vector<256x32xf32>
    %get3A_6 = arith.constant 0 : index
    %get3A_7 = arith.constant 0 : index
    %get3A_8 = vector.load %arg9[%get3A_6, %get3A_7] : memref<1x32xf32, #tpu.memory_space<vmem>>, vector<1x32xf32>
    %add3A = vector.broadcast %get3A_8 : vector<1x32xf32> to vector<256x32xf32>
    %add3A_9 = arith.addf %dot_general3A_5, %add3A : vector<256x32xf32>
    %get3A_10 = arith.constant 0 : index
    %get3A_11 = arith.constant 0 : index
    %get3A_12 = vector.load %arg5[%get3A_10, %get3A_11] : memref<3x256xf32, #tpu.memory_space<vmem>>, vector<3x256xf32>
    %slice3A = vector.extract_strided_slice %get3A_12 {offsets = [2, 0], sizes = [1, 256], strides = [1, 1]} : vector<3x256xf32> to vector<1x256xf32>
    %squeeze3A = vector.shape_cast %slice3A : vector<1x256xf32> to vector<256xf32>
    %reduce_min3A = vector.shape_cast %squeeze3A : vector<256xf32> to vector<1x256xf32>
    %reduce_min3A_13 = arith.constant dense<0x7F800000> : vector<1xf32>
    %reduce_min3A_14 = vector.multi_reduction <minimumf>, %reduce_min3A, %reduce_min3A_13 [1] : vector<1x256xf32> to vector<1xf32>
    %reduce_min3A_15 = vector.shape_cast %reduce_min3A_14 : vector<1xf32> to vector<1x1xf32>
    %reduce_min3A_16 = vector.extract %reduce_min3A_15[0, 0] : f32 from vector<1x1xf32>
    %reduce_max3A = vector.shape_cast %squeeze3A : vector<256xf32> to vector<1x256xf32>
    %reduce_max3A_17 = arith.constant dense<0xFF800000> : vector<1xf32>
    %reduce_max3A_18 = vector.multi_reduction <maximumf>, %reduce_max3A, %reduce_max3A_17 [1] : vector<1x256xf32> to vector<1xf32>
    %reduce_max3A_19 = vector.shape_cast %reduce_max3A_18 : vector<1xf32> to vector<1x1xf32>
    %reduce_max3A_20 = vector.extract %reduce_max3A_19[0, 0] : f32 from vector<1x1xf32>
    %get3A_21 = arith.constant 0 : index
    %get3A_22 = arith.constant 0 : index
    %get3A_23 = vector.load %arg4[%get3A_21, %get3A_22] : memref<1x40xf32, #tpu.memory_space<vmem>>, vector<1x40xf32>
    %sub3A = arith.constant 1.000000e-01 : f32
    %sub3A_24 = arith.subf %reduce_min3A_16, %sub3A : f32
    %lt3A = vector.broadcast %sub3A_24 : f32 to vector<1x40xf32>
    %lt3A_25 = arith.cmpf olt, %get3A_23, %lt3A : vector<1x40xf32>
    %convert_element_type3A = arith.extui %lt3A_25 : vector<1x40xi1> to vector<1x40xi32>
    %reduce_sum3A = vector.shape_cast %convert_element_type3A : vector<1x40xi32> to vector<1x1x40xi32>
    %reduce_sum3A_26 = arith.constant dense<0> : vector<1xi32>
    %reduce_sum3A_27 = vector.multi_reduction <add>, %reduce_sum3A, %reduce_sum3A_26 [1, 2] : vector<1x1x40xi32> to vector<1xi32>
    %reduce_sum3A_28 = vector.shape_cast %reduce_sum3A_27 : vector<1xi32> to vector<1x1x1xi32>
    %reduce_sum3A_29 = vector.extract %reduce_sum3A_28[0, 0, 0] : i32 from vector<1x1x1xi32>
    %get3A_30 = arith.constant 0 : index
    %get3A_31 = arith.constant 0 : index
    %get3A_32 = vector.load %arg3[%get3A_30, %get3A_31] : memref<1x40xf32, #tpu.memory_space<vmem>>, vector<1x40xf32>
    %add3A_33 = arith.constant 1.000000e-01 : f32
    %add3A_34 = arith.addf %reduce_max3A_20, %add3A_33 : f32
    %gt3A = vector.broadcast %add3A_34 : f32 to vector<1x40xf32>
    %gt3A_35 = arith.cmpf ogt, %get3A_32, %gt3A : vector<1x40xf32>
    %convert_element_type3A_36 = arith.extui %gt3A_35 : vector<1x40xi1> to vector<1x40xi32>
    %reduce_sum3A_37 = vector.shape_cast %convert_element_type3A_36 : vector<1x40xi32> to vector<1x1x40xi32>
    %reduce_sum3A_38 = arith.constant dense<0> : vector<1xi32>
    %reduce_sum3A_39 = vector.multi_reduction <add>, %reduce_sum3A_37, %reduce_sum3A_38 [1, 2] : vector<1x1x40xi32> to vector<1xi32>
    %reduce_sum3A_40 = vector.shape_cast %reduce_sum3A_39 : vector<1xi32> to vector<1x1x1xi32>
    %reduce_sum3A_41 = vector.extract %reduce_sum3A_40[0, 0, 0] : i32 from vector<1x1x1xi32>
    %sub3A_42 = arith.constant 40 : i32
    %sub3A_43 = arith.subi %sub3A_42, %reduce_sum3A_41 : i32
    %broadcast_in_dim3A = arith.constant 0.000000e+00 : f32
    %broadcast_in_dim3A_44 = vector.broadcast %broadcast_in_dim3A : f32 to vector<256x32xf32>
    %broadcast_in_dim3A_45 = arith.constant 0.000000e+00 : f32
    %broadcast_in_dim3A_46 = vector.broadcast %broadcast_in_dim3A_45 : f32 to vector<256x1xf32>
    %while3A = arith.subi %sub3A_43, %reduce_sum3A_29 : i32
    %while3A_47 = arith.addi %reduce_sum3A_29, %while3A : i32
    %while3A_48 = arith.constant 1 : i32
    %while3A_49 = arith.divsi %while3A, %while3A_48 : i32
    %while3A_50 = arith.muli %while3A_49, %while3A_48 : i32
    %while3A_51 = arith.addi %reduce_sum3A_29, %while3A_50 : i32
    %while3A_52 = arith.constant 1 : i32
    %while3A_53:2 = scf.for %while3A_71 = %reduce_sum3A_29 to %while3A_51 step %while3A_52 iter_args(%while3A_72 = %broadcast_in_dim3A_44, %while3A_73 = %broadcast_in_dim3A_46) -> (vector<256x32xf32>, vector<256x1xf32>)  : i32 {
      %mul3A = arith.constant 256 : i32
      %mul3A_74 = arith.muli %while3A_71, %mul3A : i32
      %get3A_75 = arith.constant 0 : index
      %get3A_76 = arith.index_cast %mul3A_74 : i32 to index
      %get3A_77 = vector.load %arg1[%get3A_75, %get3A_76] : memref<3x10240xf32, #tpu.memory_space<vmem>>, vector<3x256xf32>
      %mul3A_78 = arith.constant 256 : i32
      %mul3A_79 = arith.muli %while3A_71, %mul3A_78 : i32
      %get3A_80 = arith.constant 0 : index
      %get3A_81 = arith.index_cast %mul3A_79 : i32 to index
      %get3A_82 = vector.load %arg2[%get3A_80, %get3A_81] : memref<3x10240xf32, #tpu.memory_space<vmem>>, vector<3x256xf32>
      %get3A_83 = arith.constant 0 : index
      %get3A_84 = arith.constant 0 : index
      %get3A_85 = vector.load %arg7[%get3A_83, %get3A_84] : memref<32x3xf32, #tpu.memory_space<vmem>>, vector<32x3xf32>
      %dot_general3A_86 = arith.constant dense<0.000000e+00> : vector<32x256xf32>
      %dot_general3A_87 = tpu.matmul %get3A_85, %get3A_82, %dot_general3A_86 {dimension_numbers = #tpu.dot_dimension_numbers<[1], [0], [0], [1], [0, 0, 1, 1], [], []>, transpose_lhs_hint = false} : vector<32x3xf32>, vector<3x256xf32>, vector<32x256xf32> -> vector<32x256xf32>
      %broadcast_in_dim3A_88 = vector.shape_cast %get3A_12 : vector<3x256xf32> to vector<3x256x1xf32>
      %broadcast_in_dim3A_89 = vector.shape_cast %get3A_77 : vector<3x256xf32> to vector<3x1x256xf32>
      %sub3A_90 = vector.broadcast %broadcast_in_dim3A_88 : vector<3x256x1xf32> to vector<3x256x256xf32>
      %sub3A_91 = vector.broadcast %broadcast_in_dim3A_89 : vector<3x1x256xf32> to vector<3x256x256xf32>
      %sub3A_92 = arith.subf %sub3A_90, %sub3A_91 : vector<3x256x256xf32>
      %mul3A_93 = arith.mulf %sub3A_92, %sub3A_92 : vector<3x256x256xf32>
      %reduce_sum3A_94 = arith.constant dense<0.000000e+00> : vector<256x256xf32>
      %reduce_sum3A_95 = vector.multi_reduction <add>, %mul3A_93, %reduce_sum3A_94 [0] : vector<3x256x256xf32> to vector<256x256xf32>
      %lt3A_96 = arith.constant 0.00999999977 : f32
      %lt3A_97 = vector.broadcast %lt3A_96 : f32 to vector<256x256xf32>
      %lt3A_98 = arith.cmpf olt, %reduce_sum3A_95, %lt3A_97 : vector<256x256xf32>
      %broadcast_in_dim3A_99 = vector.shape_cast %add3A_9 : vector<256x32xf32> to vector<256x32x1xf32>
      %broadcast_in_dim3A_100 = vector.shape_cast %dot_general3A_87 : vector<32x256xf32> to vector<1x32x256xf32>
      %add3A_101 = vector.broadcast %broadcast_in_dim3A_99 : vector<256x32x1xf32> to vector<256x32x256xf32>
      %add3A_102 = vector.broadcast %broadcast_in_dim3A_100 : vector<1x32x256xf32> to vector<256x32x256xf32>
      %add3A_103 = arith.addf %add3A_101, %add3A_102 : vector<256x32x256xf32>
      %mul3A_104 = arith.constant 5.000000e-01 : f32
      %mul3A_105 = vector.broadcast %mul3A_104 : f32 to vector<256x32x256xf32>
      %mul3A_106 = arith.mulf %mul3A_105, %add3A_103 : vector<256x32x256xf32>
      %mul3A_107 = arith.constant 0.707106769 : f32
      %mul3A_108 = vector.broadcast %mul3A_107 : f32 to vector<256x32x256xf32>
      %mul3A_109 = arith.mulf %add3A_103, %mul3A_108 : vector<256x32x256xf32>
      %erf3A = math.erf %mul3A_109 : vector<256x32x256xf32>
      %add3A_110 = arith.constant 1.000000e+00 : f32
      %add3A_111 = vector.broadcast %add3A_110 : f32 to vector<256x32x256xf32>
      %add3A_112 = arith.addf %add3A_111, %erf3A : vector<256x32x256xf32>
      %mul3A_113 = arith.mulf %mul3A_106, %add3A_112 : vector<256x32x256xf32>
      %broadcast_in_dim3A_114 = vector.shape_cast %lt3A_98 : vector<256x256xi1> to vector<256x1x256xi1>
      %jit3A = arith.constant 0.000000e+00 : f32
      %broadcast_in_dim3A_115 = vector.shape_cast %broadcast_in_dim3A_114 : vector<256x1x256xi1> to vector<256x1x256xi1>
      %broadcast_in_dim3A_116 = vector.broadcast %broadcast_in_dim3A_115 : vector<256x1x256xi1> to vector<256x32x256xi1>
      %broadcast_in_dim3A_117 = vector.broadcast %jit3A : f32 to vector<256x32x256xf32>
      %select_n3A = arith.select %broadcast_in_dim3A_116, %mul3A_113, %broadcast_in_dim3A_117 : vector<256x32x256xi1>, vector<256x32x256xf32>
      %reduce_sum3A_118 = arith.constant dense<0.000000e+00> : vector<256x32xf32>
      %reduce_sum3A_119 = vector.multi_reduction <add>, %select_n3A, %reduce_sum3A_118 [2] : vector<256x32x256xf32> to vector<256x32xf32>
      %add3A_120 = arith.addf %while3A_72, %reduce_sum3A_119 : vector<256x32xf32>
      %convert_element_type3A_121 = arith.extui %lt3A_98 : vector<256x256xi1> to vector<256x256xi32>
      %convert_element_type3A_122 = arith.sitofp %convert_element_type3A_121 : vector<256x256xi32> to vector<256x256xf32>
      %reduce_sum3A_123 = arith.constant dense<0.000000e+00> : vector<256xf32>
      %reduce_sum3A_124 = vector.multi_reduction <add>, %convert_element_type3A_122, %reduce_sum3A_123 [1] : vector<256x256xf32> to vector<256xf32>
      %broadcast_in_dim3A_125 = vector.shape_cast %reduce_sum3A_124 : vector<256xf32> to vector<256x1xf32>
      %add3A_126 = arith.addf %while3A_73, %broadcast_in_dim3A_125 : vector<256x1xf32>
      scf.yield %add3A_120, %add3A_126 : vector<256x32xf32>, vector<256x1xf32>
    }
    %while3A_54 = arith.constant 1 : i32
    %while3A_55:2 = scf.for %while3A_71 = %while3A_51 to %while3A_47 step %while3A_54 iter_args(%while3A_72 = %while3A_53#0, %while3A_73 = %while3A_53#1) -> (vector<256x32xf32>, vector<256x1xf32>)  : i32 {
      %mul3A = arith.constant 256 : i32
      %mul3A_74 = arith.muli %while3A_71, %mul3A : i32
      %get3A_75 = arith.constant 0 : index
      %get3A_76 = arith.index_cast %mul3A_74 : i32 to index
      %get3A_77 = vector.load %arg1[%get3A_75, %get3A_76] : memref<3x10240xf32, #tpu.memory_space<vmem>>, vector<3x256xf32>
      %mul3A_78 = arith.constant 256 : i32
      %mul3A_79 = arith.muli %while3A_71, %mul3A_78 : i32
      %get3A_80 = arith.constant 0 : index
      %get3A_81 = arith.index_cast %mul3A_79 : i32 to index
      %get3A_82 = vector.load %arg2[%get3A_80, %get3A_81] : memref<3x10240xf32, #tpu.memory_space<vmem>>, vector<3x256xf32>
      %get3A_83 = arith.constant 0 : index
      %get3A_84 = arith.constant 0 : index
      %get3A_85 = vector.load %arg7[%get3A_83, %get3A_84] : memref<32x3xf32, #tpu.memory_space<vmem>>, vector<32x3xf32>
      %dot_general3A_86 = arith.constant dense<0.000000e+00> : vector<32x256xf32>
      %dot_general3A_87 = tpu.matmul %get3A_85, %get3A_82, %dot_general3A_86 {dimension_numbers = #tpu.dot_dimension_numbers<[1], [0], [0], [1], [0, 0, 1, 1], [], []>, transpose_lhs_hint = false} : vector<32x3xf32>, vector<3x256xf32>, vector<32x256xf32> -> vector<32x256xf32>
      %broadcast_in_dim3A_88 = vector.shape_cast %get3A_12 : vector<3x256xf32> to vector<3x256x1xf32>
      %broadcast_in_dim3A_89 = vector.shape_cast %get3A_77 : vector<3x256xf32> to vector<3x1x256xf32>
      %sub3A_90 = vector.broadcast %broadcast_in_dim3A_88 : vector<3x256x1xf32> to vector<3x256x256xf32>
      %sub3A_91 = vector.broadcast %broadcast_in_dim3A_89 : vector<3x1x256xf32> to vector<3x256x256xf32>
      %sub3A_92 = arith.subf %sub3A_90, %sub3A_91 : vector<3x256x256xf32>
      %mul3A_93 = arith.mulf %sub3A_92, %sub3A_92 : vector<3x256x256xf32>
      %reduce_sum3A_94 = arith.constant dense<0.000000e+00> : vector<256x256xf32>
      %reduce_sum3A_95 = vector.multi_reduction <add>, %mul3A_93, %reduce_sum3A_94 [0] : vector<3x256x256xf32> to vector<256x256xf32>
      %lt3A_96 = arith.constant 0.00999999977 : f32
      %lt3A_97 = vector.broadcast %lt3A_96 : f32 to vector<256x256xf32>
      %lt3A_98 = arith.cmpf olt, %reduce_sum3A_95, %lt3A_97 : vector<256x256xf32>
      %broadcast_in_dim3A_99 = vector.shape_cast %add3A_9 : vector<256x32xf32> to vector<256x32x1xf32>
      %broadcast_in_dim3A_100 = vector.shape_cast %dot_general3A_87 : vector<32x256xf32> to vector<1x32x256xf32>
      %add3A_101 = vector.broadcast %broadcast_in_dim3A_99 : vector<256x32x1xf32> to vector<256x32x256xf32>
      %add3A_102 = vector.broadcast %broadcast_in_dim3A_100 : vector<1x32x256xf32> to vector<256x32x256xf32>
      %add3A_103 = arith.addf %add3A_101, %add3A_102 : vector<256x32x256xf32>
      %mul3A_104 = arith.constant 5.000000e-01 : f32
      %mul3A_105 = vector.broadcast %mul3A_104 : f32 to vector<256x32x256xf32>
      %mul3A_106 = arith.mulf %mul3A_105, %add3A_103 : vector<256x32x256xf32>
      %mul3A_107 = arith.constant 0.707106769 : f32
      %mul3A_108 = vector.broadcast %mul3A_107 : f32 to vector<256x32x256xf32>
      %mul3A_109 = arith.mulf %add3A_103, %mul3A_108 : vector<256x32x256xf32>
      %erf3A = math.erf %mul3A_109 : vector<256x32x256xf32>
      %add3A_110 = arith.constant 1.000000e+00 : f32
      %add3A_111 = vector.broadcast %add3A_110 : f32 to vector<256x32x256xf32>
      %add3A_112 = arith.addf %add3A_111, %erf3A : vector<256x32x256xf32>
      %mul3A_113 = arith.mulf %mul3A_106, %add3A_112 : vector<256x32x256xf32>
      %broadcast_in_dim3A_114 = vector.shape_cast %lt3A_98 : vector<256x256xi1> to vector<256x1x256xi1>
      %jit3A = arith.constant 0.000000e+00 : f32
      %broadcast_in_dim3A_115 = vector.shape_cast %broadcast_in_dim3A_114 : vector<256x1x256xi1> to vector<256x1x256xi1>
      %broadcast_in_dim3A_116 = vector.broadcast %broadcast_in_dim3A_115 : vector<256x1x256xi1> to vector<256x32x256xi1>
      %broadcast_in_dim3A_117 = vector.broadcast %jit3A : f32 to vector<256x32x256xf32>
      %select_n3A = arith.select %broadcast_in_dim3A_116, %mul3A_113, %broadcast_in_dim3A_117 : vector<256x32x256xi1>, vector<256x32x256xf32>
      %reduce_sum3A_118 = arith.constant dense<0.000000e+00> : vector<256x32xf32>
      %reduce_sum3A_119 = vector.multi_reduction <add>, %select_n3A, %reduce_sum3A_118 [2] : vector<256x32x256xf32> to vector<256x32xf32>
      %add3A_120 = arith.addf %while3A_72, %reduce_sum3A_119 : vector<256x32xf32>
      %convert_element_type3A_121 = arith.extui %lt3A_98 : vector<256x256xi1> to vector<256x256xi32>
      %convert_element_type3A_122 = arith.sitofp %convert_element_type3A_121 : vector<256x256xi32> to vector<256x256xf32>
      %reduce_sum3A_123 = arith.constant dense<0.000000e+00> : vector<256xf32>
      %reduce_sum3A_124 = vector.multi_reduction <add>, %convert_element_type3A_122, %reduce_sum3A_123 [1] : vector<256x256xf32> to vector<256xf32>
      %broadcast_in_dim3A_125 = vector.shape_cast %reduce_sum3A_124 : vector<256xf32> to vector<256x1xf32>
      %add3A_126 = arith.addf %while3A_73, %broadcast_in_dim3A_125 : vector<256x1xf32>
      scf.yield %add3A_120, %add3A_126 : vector<256x32xf32>, vector<256x1xf32>
    }
    %max3A = arith.constant 1.000000e+00 : f32
    %max3A_56 = vector.broadcast %max3A : f32 to vector<256x1xf32>
    %max3A_57 = arith.maximumf %while3A_55#1, %max3A_56 : vector<256x1xf32>
    %div3A = vector.broadcast %max3A_57 : vector<256x1xf32> to vector<256x32xf32>
    %div3A_58 = arith.divf %while3A_55#0, %div3A : vector<256x32xf32>
    %get3A_59 = arith.constant 0 : index
    %get3A_60 = arith.constant 0 : index
    %get3A_61 = vector.load %arg10[%get3A_59, %get3A_60] : memref<32x32xf32, #tpu.memory_space<vmem>>, vector<32x32xf32>
    %dot_general3A_62 = arith.constant dense<0.000000e+00> : vector<256x32xf32>
    %dot_general3A_63 = tpu.matmul %div3A_58, %get3A_61, %dot_general3A_62 {dimension_numbers = #tpu.dot_dimension_numbers<[1], [0], [0], [1], [0, 0, 1, 1], [], []>, transpose_lhs_hint = false} : vector<256x32xf32>, vector<32x32xf32>, vector<256x32xf32> -> vector<256x32xf32>
    %get3A_64 = arith.constant 0 : index
    %get3A_65 = arith.constant 0 : index
    %get3A_66 = vector.load %arg11[%get3A_64, %get3A_65] : memref<1x32xf32, #tpu.memory_space<vmem>>, vector<1x32xf32>
    %add3A_67 = vector.broadcast %get3A_66 : vector<1x32xf32> to vector<256x32xf32>
    %add3A_68 = arith.addf %dot_general3A_63, %add3A_67 : vector<256x32xf32>
    %swap3A = arith.constant 0 : index
    %swap3A_69 = arith.constant 0 : index
    %swap3A_70 = vector.load %arg12[%swap3A, %swap3A_69] : memref<256x32xf32, #tpu.memory_space<vmem>>, vector<256x32xf32>
    tpu.vector_store %arg12[%swap3A, %swap3A_69], %add3A_68 {strides = array<i32>} : memref<256x32xf32, #tpu.memory_space<vmem>>, vector<256x32xf32>,
    return
  }
  func.func @transform_0(%arg0: i32) -> (i32, i32) {
    %c0_i32 = arith.constant 0 : i32
    %c0_i32_0 = arith.constant 0 : i32
    %c0_i32_1 = arith.constant 0 : i32
    return %c0_i32, %c0_i32_0 : i32, i32
  }
  func.func @transform_1(%arg0: i32) -> (i32, i32) {
    %c0_i32 = arith.constant 0 : i32
    %c0_i32_0 = arith.constant 0 : i32
    %c0_i32_1 = arith.constant 0 : i32
    return %c0_i32, %c0_i32_0 : i32, i32
  }
  func.func @transform_2(%arg0: i32) -> (i32, i32) {
    %c0_i32 = arith.constant 0 : i32
    %c0_i32_0 = arith.constant 0 : i32
    %c0_i32_1 = arith.constant 0 : i32
    return %c0_i32, %c0_i32_0 : i32, i32
  }
  func.func @transform_3(%arg0: i32) -> (i32, i32) {
    %c0_i32 = arith.constant 0 : i32
    %c0_i32_0 = arith.constant 0 : i32
    %c0_i32_1 = arith.constant 0 : i32
    return %c0_i32, %c0_i32_0 : i32, i32
  }
  func.func @transform_4(%arg0: i32) -> (i32, i32) {
    %c0_i32 = arith.constant 0 : i32
    %c0_i32_0 = arith.constant 0 : i32
    return %c0_i32, %arg0 : i32, i32
  }
  func.func @transform_5(%arg0: i32) -> (i32, i32) {
    %c0_i32 = arith.constant 0 : i32
    %c0_i32_0 = arith.constant 0 : i32
    return %arg0, %c0_i32 : i32, i32
  }
  func.func @transform_6(%arg0: i32) -> (i32, i32) {
    %c0_i32 = arith.constant 0 : i32
    %c0_i32_0 = arith.constant 0 : i32
    %c0_i32_1 = arith.constant 0 : i32
    return %c0_i32, %c0_i32_0 : i32, i32
  }
  func.func @transform_7(%arg0: i32) -> (i32, i32) {
    %c0_i32 = arith.constant 0 : i32
    %c0_i32_0 = arith.constant 0 : i32
    %c0_i32_1 = arith.constant 0 : i32
    return %c0_i32, %c0_i32_0 : i32, i32
  }
  func.func @transform_8(%arg0: i32) -> (i32, i32) {
    %c0_i32 = arith.constant 0 : i32
    %c0_i32_0 = arith.constant 0 : i32
    %c0_i32_1 = arith.constant 0 : i32
    return %c0_i32, %c0_i32_0 : i32, i32
  }
  func.func @transform_9(%arg0: i32) -> (i32, i32) {
    %c0_i32 = arith.constant 0 : i32
    %c0_i32_0 = arith.constant 0 : i32
    %c0_i32_1 = arith.constant 0 : i32
    return %c0_i32, %c0_i32_0 : i32, i32
  }
  func.func @transform_10(%arg0: i32) -> (i32, i32) {
    %c0_i32 = arith.constant 0 : i32
    %c0_i32_0 = arith.constant 0 : i32
    %c0_i32_1 = arith.constant 0 : i32
    return %c0_i32, %c0_i32_0 : i32, i32
  }
  func.func @transform_11(%arg0: i32) -> (i32, i32) {
    %c0_i32 = arith.constant 0 : i32
    %c0_i32_0 = arith.constant 0 : i32
    return %arg0, %c0_i32 : i32, i32
  }
}

module attributes {stable_mosaic.version = 14 : i64} {
  func.func @_conv_body(%arg0: i32, %arg1: memref<3x10240xf32, #tpu.memory_space<vmem>>, %arg2: memref<32x10240xf32, #tpu.memory_space<vmem>>, %arg3: memref<1x40xf32, #tpu.memory_space<vmem>>, %arg4: memref<1x40xf32, #tpu.memory_space<vmem>>, %arg5: memref<3x256xf32, #tpu.memory_space<vmem>>, %arg6: memref<256x32xf32, #tpu.memory_space<vmem>>, %arg7: memref<32x32xf32, #tpu.memory_space<vmem>>, %arg8: memref<32x32xf32, #tpu.memory_space<vmem>>, %arg9: memref<1x32xf32, #tpu.memory_space<vmem>>, %arg10: memref<32x32xf32, #tpu.memory_space<vmem>>, %arg11: memref<1x32xf32, #tpu.memory_space<vmem>>, %arg12: memref<256x32xf32, #tpu.memory_space<vmem>>) attributes {dimension_semantics = [#tpu.dimension_semantics<arbitrary>], iteration_bounds = array<i64: 40>, scalar_prefetch = 0 : i64, scratch_operands = 0 : i64, tpu.core_type = #tpu.core_type<tc>, window_params = [{pipeline_mode = #tpu.pipeline_mode<synchronous>, transform_indices = @transform_0, window_bounds = array<i64: 3, 10240>}, {pipeline_mode = #tpu.pipeline_mode<synchronous>, transform_indices = @transform_1, window_bounds = array<i64: 32, 10240>}, {pipeline_mode = #tpu.pipeline_mode<synchronous>, transform_indices = @transform_2, window_bounds = array<i64: 1, 40>}, {pipeline_mode = #tpu.pipeline_mode<synchronous>, transform_indices = @transform_3, window_bounds = array<i64: 1, 40>}, {transform_indices = @transform_4, window_bounds = array<i64: 3, 256>}, {transform_indices = @transform_5, window_bounds = array<i64: 256, 32>}, {pipeline_mode = #tpu.pipeline_mode<synchronous>, transform_indices = @transform_6, window_bounds = array<i64: 32, 32>}, {pipeline_mode = #tpu.pipeline_mode<synchronous>, transform_indices = @transform_7, window_bounds = array<i64: 32, 32>}, {pipeline_mode = #tpu.pipeline_mode<synchronous>, transform_indices = @transform_8, window_bounds = array<i64: 1, 32>}, {pipeline_mode = #tpu.pipeline_mode<synchronous>, transform_indices = @transform_9, window_bounds = array<i64: 32, 32>}, {pipeline_mode = #tpu.pipeline_mode<synchronous>, transform_indices = @transform_10, window_bounds = array<i64: 1, 32>}, {transform_indices = @transform_11, window_bounds = array<i64: 256, 32>}]} {
    %get3A = arith.constant 0 : index
    %get3A_0 = arith.constant 0 : index
    %get3A_1 = vector.load %arg6[%get3A, %get3A_0] : memref<256x32xf32, #tpu.memory_space<vmem>>, vector<256x32xf32>
    %get3A_2 = arith.constant 0 : index
    %get3A_3 = arith.constant 0 : index
    %get3A_4 = vector.load %arg8[%get3A_2, %get3A_3] : memref<32x32xf32, #tpu.memory_space<vmem>>, vector<32x32xf32>
    %dot_general3A = arith.constant dense<0.000000e+00> : vector<256x32xf32>
    %dot_general3A_5 = tpu.matmul %get3A_1, %get3A_4, %dot_general3A {dimension_numbers = #tpu.dot_dimension_numbers<[1], [0], [0], [1], [0, 0, 1, 1], [], []>, transpose_lhs_hint = false} : vector<256x32xf32>, vector<32x32xf32>, vector<256x32xf32> -> vector<256x32xf32>
    %get3A_6 = arith.constant 0 : index
    %get3A_7 = arith.constant 0 : index
    %get3A_8 = vector.load %arg9[%get3A_6, %get3A_7] : memref<1x32xf32, #tpu.memory_space<vmem>>, vector<1x32xf32>
    %add3A = vector.broadcast %get3A_8 : vector<1x32xf32> to vector<256x32xf32>
    %add3A_9 = arith.addf %dot_general3A_5, %add3A : vector<256x32xf32>
    %get3A_10 = arith.constant 0 : index
    %get3A_11 = arith.constant 0 : index
    %get3A_12 = vector.load %arg5[%get3A_10, %get3A_11] : memref<3x256xf32, #tpu.memory_space<vmem>>, vector<3x256xf32>
    %slice3A = vector.extract_strided_slice %get3A_12 {offsets = [2, 0], sizes = [1, 256], strides = [1, 1]} : vector<3x256xf32> to vector<1x256xf32>
    %squeeze3A = vector.shape_cast %slice3A : vector<1x256xf32> to vector<256xf32>
    %reduce_min3A = vector.shape_cast %squeeze3A : vector<256xf32> to vector<1x256xf32>
    %reduce_min3A_13 = arith.constant dense<0x7F800000> : vector<1xf32>
    %reduce_min3A_14 = vector.multi_reduction <minimumf>, %reduce_min3A, %reduce_min3A_13 [1] : vector<1x256xf32> to vector<1xf32>
    %reduce_min3A_15 = vector.shape_cast %reduce_min3A_14 : vector<1xf32> to vector<1x1xf32>
    %reduce_min3A_16 = vector.extract %reduce_min3A_15[0, 0] : f32 from vector<1x1xf32>
    %reduce_max3A = vector.shape_cast %squeeze3A : vector<256xf32> to vector<1x256xf32>
    %reduce_max3A_17 = arith.constant dense<0xFF800000> : vector<1xf32>
    %reduce_max3A_18 = vector.multi_reduction <maximumf>, %reduce_max3A, %reduce_max3A_17 [1] : vector<1x256xf32> to vector<1xf32>
    %reduce_max3A_19 = vector.shape_cast %reduce_max3A_18 : vector<1xf32> to vector<1x1xf32>
    %reduce_max3A_20 = vector.extract %reduce_max3A_19[0, 0] : f32 from vector<1x1xf32>
    %get3A_21 = arith.constant 0 : index
    %get3A_22 = arith.constant 0 : index
    %get3A_23 = vector.load %arg4[%get3A_21, %get3A_22] : memref<1x40xf32, #tpu.memory_space<vmem>>, vector<1x40xf32>
    %sub3A = arith.constant 1.000000e-01 : f32
    %sub3A_24 = arith.subf %reduce_min3A_16, %sub3A : f32
    %lt3A = vector.broadcast %sub3A_24 : f32 to vector<1x40xf32>
    %lt3A_25 = arith.cmpf olt, %get3A_23, %lt3A : vector<1x40xf32>
    %convert_element_type3A = arith.extui %lt3A_25 : vector<1x40xi1> to vector<1x40xi32>
    %reduce_sum3A = vector.shape_cast %convert_element_type3A : vector<1x40xi32> to vector<1x1x40xi32>
    %reduce_sum3A_26 = arith.constant dense<0> : vector<1xi32>
    %reduce_sum3A_27 = vector.multi_reduction <add>, %reduce_sum3A, %reduce_sum3A_26 [1, 2] : vector<1x1x40xi32> to vector<1xi32>
    %reduce_sum3A_28 = vector.shape_cast %reduce_sum3A_27 : vector<1xi32> to vector<1x1x1xi32>
    %reduce_sum3A_29 = vector.extract %reduce_sum3A_28[0, 0, 0] : i32 from vector<1x1x1xi32>
    %get3A_30 = arith.constant 0 : index
    %get3A_31 = arith.constant 0 : index
    %get3A_32 = vector.load %arg3[%get3A_30, %get3A_31] : memref<1x40xf32, #tpu.memory_space<vmem>>, vector<1x40xf32>
    %add3A_33 = arith.constant 1.000000e-01 : f32
    %add3A_34 = arith.addf %reduce_max3A_20, %add3A_33 : f32
    %gt3A = vector.broadcast %add3A_34 : f32 to vector<1x40xf32>
    %gt3A_35 = arith.cmpf ogt, %get3A_32, %gt3A : vector<1x40xf32>
    %convert_element_type3A_36 = arith.extui %gt3A_35 : vector<1x40xi1> to vector<1x40xi32>
    %reduce_sum3A_37 = vector.shape_cast %convert_element_type3A_36 : vector<1x40xi32> to vector<1x1x40xi32>
    %reduce_sum3A_38 = arith.constant dense<0> : vector<1xi32>
    %reduce_sum3A_39 = vector.multi_reduction <add>, %reduce_sum3A_37, %reduce_sum3A_38 [1, 2] : vector<1x1x40xi32> to vector<1xi32>
    %reduce_sum3A_40 = vector.shape_cast %reduce_sum3A_39 : vector<1xi32> to vector<1x1x1xi32>
    %reduce_sum3A_41 = vector.extract %reduce_sum3A_40[0, 0, 0] : i32 from vector<1x1x1xi32>
    %sub3A_42 = arith.constant 40 : i32
    %sub3A_43 = arith.subi %sub3A_42, %reduce_sum3A_41 : i32
    %broadcast_in_dim3A = arith.constant 0.000000e+00 : f32
    %broadcast_in_dim3A_44 = vector.broadcast %broadcast_in_dim3A : f32 to vector<256x32xf32>
    %broadcast_in_dim3A_45 = arith.constant 0.000000e+00 : f32
    %broadcast_in_dim3A_46 = vector.broadcast %broadcast_in_dim3A_45 : f32 to vector<256x1xf32>
    %while3A = arith.subi %sub3A_43, %reduce_sum3A_29 : i32
    %while3A_47 = arith.addi %reduce_sum3A_29, %while3A : i32
    %while3A_48 = arith.constant 1 : i32
    %while3A_49 = arith.divsi %while3A, %while3A_48 : i32
    %while3A_50 = arith.muli %while3A_49, %while3A_48 : i32
    %while3A_51 = arith.addi %reduce_sum3A_29, %while3A_50 : i32
    %while3A_52 = arith.constant 1 : i32
    %while3A_53:2 = scf.for %while3A_71 = %reduce_sum3A_29 to %while3A_51 step %while3A_52 iter_args(%while3A_72 = %broadcast_in_dim3A_44, %while3A_73 = %broadcast_in_dim3A_46) -> (vector<256x32xf32>, vector<256x1xf32>)  : i32 {
      %mul3A = arith.constant 256 : i32
      %mul3A_74 = arith.muli %while3A_71, %mul3A : i32
      %get3A_75 = arith.constant 0 : index
      %get3A_76 = arith.index_cast %mul3A_74 : i32 to index
      %get3A_77 = vector.load %arg1[%get3A_75, %get3A_76] : memref<3x10240xf32, #tpu.memory_space<vmem>>, vector<3x256xf32>
      %mul3A_78 = arith.constant 256 : i32
      %mul3A_79 = arith.muli %while3A_71, %mul3A_78 : i32
      %get3A_80 = arith.constant 0 : index
      %get3A_81 = arith.index_cast %mul3A_79 : i32 to index
      %get3A_82 = vector.load %arg2[%get3A_80, %get3A_81] : memref<32x10240xf32, #tpu.memory_space<vmem>>, vector<32x256xf32>
      %get3A_83 = arith.constant 0 : index
      %get3A_84 = arith.constant 0 : index
      %get3A_85 = vector.load %arg7[%get3A_83, %get3A_84] : memref<32x32xf32, #tpu.memory_space<vmem>>, vector<32x32xf32>
      %dot_general3A_86 = arith.constant dense<0.000000e+00> : vector<32x256xf32>
      %dot_general3A_87 = tpu.matmul %get3A_85, %get3A_82, %dot_general3A_86 {dimension_numbers = #tpu.dot_dimension_numbers<[1], [0], [0], [1], [0, 0, 1, 1], [], []>, transpose_lhs_hint = false} : vector<32x32xf32>, vector<32x256xf32>, vector<32x256xf32> -> vector<32x256xf32>
      %broadcast_in_dim3A_88 = vector.shape_cast %get3A_12 : vector<3x256xf32> to vector<3x256x1xf32>
      %broadcast_in_dim3A_89 = vector.shape_cast %get3A_77 : vector<3x256xf32> to vector<3x1x256xf32>
      %sub3A_90 = vector.broadcast %broadcast_in_dim3A_88 : vector<3x256x1xf32> to vector<3x256x256xf32>
      %sub3A_91 = vector.broadcast %broadcast_in_dim3A_89 : vector<3x1x256xf32> to vector<3x256x256xf32>
      %sub3A_92 = arith.subf %sub3A_90, %sub3A_91 : vector<3x256x256xf32>
      %mul3A_93 = arith.mulf %sub3A_92, %sub3A_92 : vector<3x256x256xf32>
      %reduce_sum3A_94 = arith.constant dense<0.000000e+00> : vector<256x256xf32>
      %reduce_sum3A_95 = vector.multi_reduction <add>, %mul3A_93, %reduce_sum3A_94 [0] : vector<3x256x256xf32> to vector<256x256xf32>
      %lt3A_96 = arith.constant 0.00999999977 : f32
      %lt3A_97 = vector.broadcast %lt3A_96 : f32 to vector<256x256xf32>
      %lt3A_98 = arith.cmpf olt, %reduce_sum3A_95, %lt3A_97 : vector<256x256xf32>
      %broadcast_in_dim3A_99 = vector.shape_cast %add3A_9 : vector<256x32xf32> to vector<256x32x1xf32>
      %broadcast_in_dim3A_100 = vector.shape_cast %dot_general3A_87 : vector<32x256xf32> to vector<1x32x256xf32>
      %add3A_101 = vector.broadcast %broadcast_in_dim3A_99 : vector<256x32x1xf32> to vector<256x32x256xf32>
      %add3A_102 = vector.broadcast %broadcast_in_dim3A_100 : vector<1x32x256xf32> to vector<256x32x256xf32>
      %add3A_103 = arith.addf %add3A_101, %add3A_102 : vector<256x32x256xf32>
      %mul3A_104 = arith.constant 5.000000e-01 : f32
      %mul3A_105 = vector.broadcast %mul3A_104 : f32 to vector<256x32x256xf32>
      %mul3A_106 = arith.mulf %mul3A_105, %add3A_103 : vector<256x32x256xf32>
      %mul3A_107 = arith.constant 0.707106769 : f32
      %mul3A_108 = vector.broadcast %mul3A_107 : f32 to vector<256x32x256xf32>
      %mul3A_109 = arith.mulf %add3A_103, %mul3A_108 : vector<256x32x256xf32>
      %erf3A = math.erf %mul3A_109 : vector<256x32x256xf32>
      %add3A_110 = arith.constant 1.000000e+00 : f32
      %add3A_111 = vector.broadcast %add3A_110 : f32 to vector<256x32x256xf32>
      %add3A_112 = arith.addf %add3A_111, %erf3A : vector<256x32x256xf32>
      %mul3A_113 = arith.mulf %mul3A_106, %add3A_112 : vector<256x32x256xf32>
      %broadcast_in_dim3A_114 = vector.shape_cast %lt3A_98 : vector<256x256xi1> to vector<256x1x256xi1>
      %jit3A = arith.constant 0.000000e+00 : f32
      %broadcast_in_dim3A_115 = vector.shape_cast %broadcast_in_dim3A_114 : vector<256x1x256xi1> to vector<256x1x256xi1>
      %broadcast_in_dim3A_116 = vector.broadcast %broadcast_in_dim3A_115 : vector<256x1x256xi1> to vector<256x32x256xi1>
      %broadcast_in_dim3A_117 = vector.broadcast %jit3A : f32 to vector<256x32x256xf32>
      %select_n3A = arith.select %broadcast_in_dim3A_116, %mul3A_113, %broadcast_in_dim3A_117 : vector<256x32x256xi1>, vector<256x32x256xf32>
      %reduce_sum3A_118 = arith.constant dense<0.000000e+00> : vector<256x32xf32>
      %reduce_sum3A_119 = vector.multi_reduction <add>, %select_n3A, %reduce_sum3A_118 [2] : vector<256x32x256xf32> to vector<256x32xf32>
      %add3A_120 = arith.addf %while3A_72, %reduce_sum3A_119 : vector<256x32xf32>
      %convert_element_type3A_121 = arith.extui %lt3A_98 : vector<256x256xi1> to vector<256x256xi32>
      %convert_element_type3A_122 = arith.sitofp %convert_element_type3A_121 : vector<256x256xi32> to vector<256x256xf32>
      %reduce_sum3A_123 = arith.constant dense<0.000000e+00> : vector<256xf32>
      %reduce_sum3A_124 = vector.multi_reduction <add>, %convert_element_type3A_122, %reduce_sum3A_123 [1] : vector<256x256xf32> to vector<256xf32>
      %broadcast_in_dim3A_125 = vector.shape_cast %reduce_sum3A_124 : vector<256xf32> to vector<256x1xf32>
      %add3A_126 = arith.addf %while3A_73, %broadcast_in_dim3A_125 : vector<256x1xf32>
      scf.yield %add3A_120, %add3A_126 : vector<256x32xf32>, vector<256x1xf32>
    }
    %while3A_54 = arith.constant 1 : i32
    %while3A_55:2 = scf.for %while3A_71 = %while3A_51 to %while3A_47 step %while3A_54 iter_args(%while3A_72 = %while3A_53#0, %while3A_73 = %while3A_53#1) -> (vector<256x32xf32>, vector<256x1xf32>)  : i32 {
      %mul3A = arith.constant 256 : i32
      %mul3A_74 = arith.muli %while3A_71, %mul3A : i32
      %get3A_75 = arith.constant 0 : index
      %get3A_76 = arith.index_cast %mul3A_74 : i32 to index
      %get3A_77 = vector.load %arg1[%get3A_75, %get3A_76] : memref<3x10240xf32, #tpu.memory_space<vmem>>, vector<3x256xf32>
      %mul3A_78 = arith.constant 256 : i32
      %mul3A_79 = arith.muli %while3A_71, %mul3A_78 : i32
      %get3A_80 = arith.constant 0 : index
      %get3A_81 = arith.index_cast %mul3A_79 : i32 to index
      %get3A_82 = vector.load %arg2[%get3A_80, %get3A_81] : memref<32x10240xf32, #tpu.memory_space<vmem>>, vector<32x256xf32>
      %get3A_83 = arith.constant 0 : index
      %get3A_84 = arith.constant 0 : index
      %get3A_85 = vector.load %arg7[%get3A_83, %get3A_84] : memref<32x32xf32, #tpu.memory_space<vmem>>, vector<32x32xf32>
      %dot_general3A_86 = arith.constant dense<0.000000e+00> : vector<32x256xf32>
      %dot_general3A_87 = tpu.matmul %get3A_85, %get3A_82, %dot_general3A_86 {dimension_numbers = #tpu.dot_dimension_numbers<[1], [0], [0], [1], [0, 0, 1, 1], [], []>, transpose_lhs_hint = false} : vector<32x32xf32>, vector<32x256xf32>, vector<32x256xf32> -> vector<32x256xf32>
      %broadcast_in_dim3A_88 = vector.shape_cast %get3A_12 : vector<3x256xf32> to vector<3x256x1xf32>
      %broadcast_in_dim3A_89 = vector.shape_cast %get3A_77 : vector<3x256xf32> to vector<3x1x256xf32>
      %sub3A_90 = vector.broadcast %broadcast_in_dim3A_88 : vector<3x256x1xf32> to vector<3x256x256xf32>
      %sub3A_91 = vector.broadcast %broadcast_in_dim3A_89 : vector<3x1x256xf32> to vector<3x256x256xf32>
      %sub3A_92 = arith.subf %sub3A_90, %sub3A_91 : vector<3x256x256xf32>
      %mul3A_93 = arith.mulf %sub3A_92, %sub3A_92 : vector<3x256x256xf32>
      %reduce_sum3A_94 = arith.constant dense<0.000000e+00> : vector<256x256xf32>
      %reduce_sum3A_95 = vector.multi_reduction <add>, %mul3A_93, %reduce_sum3A_94 [0] : vector<3x256x256xf32> to vector<256x256xf32>
      %lt3A_96 = arith.constant 0.00999999977 : f32
      %lt3A_97 = vector.broadcast %lt3A_96 : f32 to vector<256x256xf32>
      %lt3A_98 = arith.cmpf olt, %reduce_sum3A_95, %lt3A_97 : vector<256x256xf32>
      %broadcast_in_dim3A_99 = vector.shape_cast %add3A_9 : vector<256x32xf32> to vector<256x32x1xf32>
      %broadcast_in_dim3A_100 = vector.shape_cast %dot_general3A_87 : vector<32x256xf32> to vector<1x32x256xf32>
      %add3A_101 = vector.broadcast %broadcast_in_dim3A_99 : vector<256x32x1xf32> to vector<256x32x256xf32>
      %add3A_102 = vector.broadcast %broadcast_in_dim3A_100 : vector<1x32x256xf32> to vector<256x32x256xf32>
      %add3A_103 = arith.addf %add3A_101, %add3A_102 : vector<256x32x256xf32>
      %mul3A_104 = arith.constant 5.000000e-01 : f32
      %mul3A_105 = vector.broadcast %mul3A_104 : f32 to vector<256x32x256xf32>
      %mul3A_106 = arith.mulf %mul3A_105, %add3A_103 : vector<256x32x256xf32>
      %mul3A_107 = arith.constant 0.707106769 : f32
      %mul3A_108 = vector.broadcast %mul3A_107 : f32 to vector<256x32x256xf32>
      %mul3A_109 = arith.mulf %add3A_103, %mul3A_108 : vector<256x32x256xf32>
      %erf3A = math.erf %mul3A_109 : vector<256x32x256xf32>
      %add3A_110 = arith.constant 1.000000e+00 : f32
      %add3A_111 = vector.broadcast %add3A_110 : f32 to vector<256x32x256xf32>
      %add3A_112 = arith.addf %add3A_111, %erf3A : vector<256x32x256xf32>
      %mul3A_113 = arith.mulf %mul3A_106, %add3A_112 : vector<256x32x256xf32>
      %broadcast_in_dim3A_114 = vector.shape_cast %lt3A_98 : vector<256x256xi1> to vector<256x1x256xi1>
      %jit3A = arith.constant 0.000000e+00 : f32
      %broadcast_in_dim3A_115 = vector.shape_cast %broadcast_in_dim3A_114 : vector<256x1x256xi1> to vector<256x1x256xi1>
      %broadcast_in_dim3A_116 = vector.broadcast %broadcast_in_dim3A_115 : vector<256x1x256xi1> to vector<256x32x256xi1>
      %broadcast_in_dim3A_117 = vector.broadcast %jit3A : f32 to vector<256x32x256xf32>
      %select_n3A = arith.select %broadcast_in_dim3A_116, %mul3A_113, %broadcast_in_dim3A_117 : vector<256x32x256xi1>, vector<256x32x256xf32>
      %reduce_sum3A_118 = arith.constant dense<0.000000e+00> : vector<256x32xf32>
      %reduce_sum3A_119 = vector.multi_reduction <add>, %select_n3A, %reduce_sum3A_118 [2] : vector<256x32x256xf32> to vector<256x32xf32>
      %add3A_120 = arith.addf %while3A_72, %reduce_sum3A_119 : vector<256x32xf32>
      %convert_element_type3A_121 = arith.extui %lt3A_98 : vector<256x256xi1> to vector<256x256xi32>
      %convert_element_type3A_122 = arith.sitofp %convert_element_type3A_121 : vector<256x256xi32> to vector<256x256xf32>
      %reduce_sum3A_123 = arith.constant dense<0.000000e+00> : vector<256xf32>
      %reduce_sum3A_124 = vector.multi_reduction <add>, %convert_element_type3A_122, %reduce_sum3A_123 [1] : vector<256x256xf32> to vector<256xf32>
      %broadcast_in_dim3A_125 = vector.shape_cast %reduce_sum3A_124 : vector<256xf32> to vector<256x1xf32>
      %add3A_126 = arith.addf %while3A_73, %broadcast_in_dim3A_125 : vector<256x1xf32>
      scf.yield %add3A_120, %add3A_126 : vector<256x32xf32>, vector<256x1xf32>
    }
    %max3A = arith.constant 1.000000e+00 : f32
    %max3A_56 = vector.broadcast %max3A : f32 to vector<256x1xf32>
    %max3A_57 = arith.maximumf %while3A_55#1, %max3A_56 : vector<256x1xf32>
    %div3A = vector.broadcast %max3A_57 : vector<256x1xf32> to vector<256x32xf32>
    %div3A_58 = arith.divf %while3A_55#0, %div3A : vector<256x32xf32>
    %get3A_59 = arith.constant 0 : index
    %get3A_60 = arith.constant 0 : index
    %get3A_61 = vector.load %arg10[%get3A_59, %get3A_60] : memref<32x32xf32, #tpu.memory_space<vmem>>, vector<32x32xf32>
    %dot_general3A_62 = arith.constant dense<0.000000e+00> : vector<256x32xf32>
    %dot_general3A_63 = tpu.matmul %div3A_58, %get3A_61, %dot_general3A_62 {dimension_numbers = #tpu.dot_dimension_numbers<[1], [0], [0], [1], [0, 0, 1, 1], [], []>, transpose_lhs_hint = false} : vector<256x32xf32>, vector<32x32xf32>, vector<256x32xf32> -> vector<256x32xf32>
    %get3A_64 = arith.constant 0 : index
    %get3A_65 = arith.constant 0 : index
    %get3A_66 = vector.load %arg11[%get3A_64, %get3A_65] : memref<1x32xf32, #tpu.memory_space<vmem>>, vector<1x32xf32>
    %add3A_67 = vector.broadcast %get3A_66 : vector<1x32xf32> to vector<256x32xf32>
    %add3A_68 = arith.addf %dot_general3A_63, %add3A_67 : vector<256x32xf32>
    %swap3A = arith.constant 0 : index
    %swap3A_69 = arith.constant 0 : index
    %swap3A_70 = vector.load %arg12[%swap3A, %swap3A_69] : memref<256x32xf32, #tpu.memory_space<vmem>>, vector<256x32xf32>
    tpu.vector_store %arg12[%swap3A, %swap3A_69], %add3A_68 {strides = array<i32>} : memref<256x32xf32, #tpu.memory_space<vmem>>, vector<256x32xf32>,
    return
  }
  func.func @transform_0(%arg0: i32) -> (i32, i32) {
    %c0_i32 = arith.constant 0 : i32
    %c0_i32_0 = arith.constant 0 : i32
    %c0_i32_1 = arith.constant 0 : i32
    return %c0_i32, %c0_i32_0 : i32, i32
  }
  func.func @transform_1(%arg0: i32) -> (i32, i32) {
    %c0_i32 = arith.constant 0 : i32
    %c0_i32_0 = arith.constant 0 : i32
    %c0_i32_1 = arith.constant 0 : i32
    return %c0_i32, %c0_i32_0 : i32, i32
  }
  func.func @transform_2(%arg0: i32) -> (i32, i32) {
    %c0_i32 = arith.constant 0 : i32
    %c0_i32_0 = arith.constant 0 : i32
    %c0_i32_1 = arith.constant 0 : i32
    return %c0_i32, %c0_i32_0 : i32, i32
  }
  func.func @transform_3(%arg0: i32) -> (i32, i32) {
    %c0_i32 = arith.constant 0 : i32
    %c0_i32_0 = arith.constant 0 : i32
    %c0_i32_1 = arith.constant 0 : i32
    return %c0_i32, %c0_i32_0 : i32, i32
  }
  func.func @transform_4(%arg0: i32) -> (i32, i32) {
    %c0_i32 = arith.constant 0 : i32
    %c0_i32_0 = arith.constant 0 : i32
    return %c0_i32, %arg0 : i32, i32
  }
  func.func @transform_5(%arg0: i32) -> (i32, i32) {
    %c0_i32 = arith.constant 0 : i32
    %c0_i32_0 = arith.constant 0 : i32
    return %arg0, %c0_i32 : i32, i32
  }
  func.func @transform_6(%arg0: i32) -> (i32, i32) {
    %c0_i32 = arith.constant 0 : i32
    %c0_i32_0 = arith.constant 0 : i32
    %c0_i32_1 = arith.constant 0 : i32
    return %c0_i32, %c0_i32_0 : i32, i32
  }
  func.func @transform_7(%arg0: i32) -> (i32, i32) {
    %c0_i32 = arith.constant 0 : i32
    %c0_i32_0 = arith.constant 0 : i32
    %c0_i32_1 = arith.constant 0 : i32
    return %c0_i32, %c0_i32_0 : i32, i32
  }
  func.func @transform_8(%arg0: i32) -> (i32, i32) {
    %c0_i32 = arith.constant 0 : i32
    %c0_i32_0 = arith.constant 0 : i32
    %c0_i32_1 = arith.constant 0 : i32
    return %c0_i32, %c0_i32_0 : i32, i32
  }
  func.func @transform_9(%arg0: i32) -> (i32, i32) {
    %c0_i32 = arith.constant 0 : i32
    %c0_i32_0 = arith.constant 0 : i32
    %c0_i32_1 = arith.constant 0 : i32
    return %c0_i32, %c0_i32_0 : i32, i32
  }
  func.func @transform_10(%arg0: i32) -> (i32, i32) {
    %c0_i32 = arith.constant 0 : i32
    %c0_i32_0 = arith.constant 0 : i32
    %c0_i32_1 = arith.constant 0 : i32
    return %c0_i32, %c0_i32_0 : i32, i32
  }
  func.func @transform_11(%arg0: i32) -> (i32, i32) {
    %c0_i32 = arith.constant 0 : i32
    %c0_i32_0 = arith.constant 0 : i32
    return %arg0, %c0_i32 : i32, i32
  }
}

module attributes {stable_mosaic.version = 14 : i64} {
  func.func @_head_body(%arg0: memref<10000x32xf32, #tpu.memory_space<vmem>>, %arg1: memref<1x32xf32, #tpu.memory_space<vmem>>, %arg2: memref<1x1xf32, #tpu.memory_space<vmem>>, %arg3: memref<10000x1xf32, #tpu.memory_space<vmem>>) attributes {dimension_semantics = [], scalar_prefetch = 0 : i64, scratch_operands = 0 : i64, tpu.core_type = #tpu.core_type<tc>} {
    %get3A = arith.constant 0 : index
    %get3A_0 = arith.constant 0 : index
    %get3A_1 = vector.load %arg0[%get3A, %get3A_0] : memref<10000x32xf32, #tpu.memory_space<vmem>>, vector<10000x32xf32>
    %mul3A = arith.constant 5.000000e-01 : f32
    %mul3A_2 = vector.broadcast %mul3A : f32 to vector<10000x32xf32>
    %mul3A_3 = arith.mulf %mul3A_2, %get3A_1 : vector<10000x32xf32>
    %mul3A_4 = arith.constant 0.707106769 : f32
    %mul3A_5 = vector.broadcast %mul3A_4 : f32 to vector<10000x32xf32>
    %mul3A_6 = arith.mulf %get3A_1, %mul3A_5 : vector<10000x32xf32>
    %erf3A = math.erf %mul3A_6 : vector<10000x32xf32>
    %add3A = arith.constant 1.000000e+00 : f32
    %add3A_7 = vector.broadcast %add3A : f32 to vector<10000x32xf32>
    %add3A_8 = arith.addf %add3A_7, %erf3A : vector<10000x32xf32>
    %mul3A_9 = arith.mulf %mul3A_3, %add3A_8 : vector<10000x32xf32>
    %get3A_10 = arith.constant 0 : index
    %get3A_11 = arith.constant 0 : index
    %get3A_12 = vector.load %arg1[%get3A_10, %get3A_11] : memref<1x32xf32, #tpu.memory_space<vmem>>, vector<1x32xf32>
    %mul3A_13 = vector.broadcast %get3A_12 : vector<1x32xf32> to vector<10000x32xf32>
    %mul3A_14 = arith.mulf %mul3A_9, %mul3A_13 : vector<10000x32xf32>
    %reduce_sum3A = arith.constant dense<0.000000e+00> : vector<10000xf32>
    %reduce_sum3A_15 = vector.multi_reduction <add>, %mul3A_14, %reduce_sum3A [1] : vector<10000x32xf32> to vector<10000xf32>
    %broadcast_in_dim3A = vector.shape_cast %reduce_sum3A_15 : vector<10000xf32> to vector<10000x1xf32>
    %get3A_16 = arith.constant 0 : index
    %get3A_17 = arith.constant 0 : index
    %get3A_18 = vector.load %arg2[%get3A_16, %get3A_17] : memref<1x1xf32, #tpu.memory_space<vmem>>, vector<1x1xf32>
    %add3A_19 = vector.broadcast %get3A_18 : vector<1x1xf32> to vector<10000x1xf32>
    %add3A_20 = arith.addf %broadcast_in_dim3A, %add3A_19 : vector<10000x1xf32>
    %swap3A = arith.constant 0 : index
    %swap3A_21 = arith.constant 0 : index
    %swap3A_22 = vector.load %arg3[%swap3A, %swap3A_21] : memref<10000x1xf32, #tpu.memory_space<vmem>>, vector<10000x1xf32>
    tpu.vector_store %arg3[%swap3A, %swap3A_21], %add3A_20 {strides = array<i32>} : memref<10000x1xf32, #tpu.memory_space<vmem>>, vector<10000x1xf32>,
    return
  }
}

</mosaic_0001>

<sc_bundles>
// kernel: gather_offload_async_start
scs
__scs_entry_jumppad:
0x0: {  	(pc) =	sbr.rel $0x88, $3  }
0x1: {  	(tag) =	ssettag $0x0;
	lr =	simm.s32 $0x1  }
0x2: {  	[smem:$0x3F96] =	sst lr;
	_ =	strace $0xD0000000  }
0x3: {  	_ = 	snop  }
0x4: {  	_ = 	snop  }
0x5: {  	_ = 	snop  }
0x6: {  	_ = 	snop  }
0x7: {  	_ = 	snop  }
__scs_overlays_trampoline_lowered:
0x8: {  	[smem:$0x3FA5] =	sst s0  }
0x9: {  	[smem:$0x3FA6] =	sst s1  }
0xa: {  	[smem:$0x3FA7] =	sst s2  }
0xb: {  	[smem:$0x3FA8] =	sst s3  }
0xc: {  	[smem:$0x3FA9] =	sst s4  }
0xd: {  	[smem:$0x3FAA] =	sst s5  }
0xe: {  	[smem:$0x3FAB] =	sst s6  }
0xf: {  	[smem:$0x3FAC] =	sst s7  }
0x10: {  	[smem:$0x3FAD] =	sst s8  }
0x11: {  	[smem:$0x3FAE] =	sst s9;
	s0 =	simm.s32 @!p0 $0x0  }
0x12: {  	s1 =	sld [smem:$0x3F94];
	s0 =	simm.s32 @p0 $0x1  }
0x13: {  	[smem:$0x3FAF] =	sst s0;
	s0 =	simm.s32 @!p1 $0x0  }
0x14: {  	s2 =	sld [smem:$0x3F93];
	s0 =	simm.s32 @p1 $0x1  }
0x15: {  	[smem:$0x3FB0] =	sst s0;
	s0 =	simm.s32 @!p2 $0x0  }
0x16: {  	s3 =	sld [smem:$0x3FDB];
	s0 =	simm.s32 @p2 $0x1  }
0x17: {  	s4 =	simm.s32 $0x1BF5;
	[smem:$0x3FB2] =	sst s0  }
0x18: {  	s0 =	sld [smem:$0x3F95];
	_ =	swait.ge [sflag:s4], $0x0  }
0x19: {  	s7 =	sld [smem:$0x3F96]  }
0x1a: {  	s8 =	sadd.s32 $0xFFFFE003, lr  }
0x1b: {  	s9 =	sadd.s32 $0xFFFFFEF7, lr;
	s5 =	simm.s32 $0xFFFFFFFF;
	p2 =	slt.u32 s8, $0xFFFFF086  }
0x1c: {  	p1 =	slt.u32 s9, $0xF7A;
	s5 =	simm.s32 @!p2 $0x0  }
0x1d: {  	s5 =	simm.s32 @p1 $0x1;
	p0 =	seq.s32 s7, s2  }
0x1e: {  	s7 =	smul.u32 @!p0 $0xF7A, s2;
	p2 =	seq.s32 @!p0 s5, $0x0  }
0x1f: {  	s9 =	smul.u32 $0xF7A, s1;
	s8 =	simm.s32 @!p0 $0x1BF5;
	p2 =	por !p2, p0  }
0x20: {  	[sflag:s8] =	ssyncset.s32 @!p0 $0xFFFFF086;
	s6 =	sadd.s32 @!p0 s3, s7;
	s7 =	simm.s32 @!p0 $0x108  }
0x21: {  	s3 =	sadd.s32 s3, s9;
	s6 =	sadd.s32 @!p0 $0x88, s6;
	s7 =	simm.s32 @p2 $0x1082  }
0x22: {  	[simem:s7], [sflag:s8] =	dma.local @!p0 [hbm:s6], $0xF7A  }
0x23: {  	s9 =	sor.u32 $0xD0000000, s2;
	s6 =	simm.s32 $0x108;
	_ =	swait.ge @!p0 [sflag:s8], $0x0  }
0x24: {  	s3 =	sadd.s32 $0x88, s3;
	s6 =	simm.s32 @!p1 $0x1082;
	[sflag:s4] =	ssyncset.s32 $0xFFFFF086  }
0x25: {  	[simem:s6], [sflag:s4] =	dma.local [hbm:s3], $0xF7A  }
0x26: {  	[smem:$0x3F96] =	sst s1;
	(tag) =	ssettag s2;
	_ =	strace s9  }
0x27: {  	s1 =	sld [smem:$0x3FA6]  }
0x28: {  	s2 =	sld [smem:$0x3FA7]  }
0x29: {  	s4 =	sld [smem:$0x3FA9]  }
0x2a: {  	p0 =	seq.s32 s5, $0x0;
	s5 =	sld [smem:$0x3FAA]  }
0x2b: {  	s6 =	sld [smem:$0x3FAB]  }
0x2c: {  	s7 =	sld [smem:$0x3FAC]  }
0x2d: {  	s3 =	simm.s32 $0x108;
	s8 =	sld [smem:$0x3FAD]  }
0x2e: {  	s3 =	simm.s32 @!p0 $0x1082;
	s9 =	sld [smem:$0x3FAE]  }
0x2f: {  	lr =	sadd.s32 s0, s3;
	s0 =	sld [smem:$0x3FA5]  }
0x30: {  	s3 =	sld [smem:$0x3FA8]  }
0x31: {  	[smem:$0x3FB1] =	sst s10  }
0x32: {  	s10 =	sld [smem:$0x3FAF];
	_ =	sdelay $0x3  }
0x33: {  	p0 =	seq.s32 s10, $0x1;
	s10 =	sld [smem:$0x3FB1];
	_ =	sdelay $0x3  }
0x34: {  	[smem:$0x3FB1] =	sst s10  }
0x35: {  	s10 =	sld [smem:$0x3FB0];
	_ =	sdelay $0x3  }
0x36: {  	p1 =	seq.s32 s10, $0x1;
	s10 =	sld [smem:$0x3FB1];
	_ =	sdelay $0x3  }
0x37: {  	[smem:$0x3FB1] =	sst s10  }
0x38: {  	s10 =	sld [smem:$0x3FB2]  }
0x39: {  	_ = 	snop;
	(pc) =	sbr.ind lr, $3  }
0x3a: {  	_ = 	snop  }
0x3b: {  	_ = 	snop  }
0x3c: {  	p2 =	seq.s32 s10, $0x1;
	s10 =	sld [smem:$0x3FB1]  }
0x3d: {  	_ =	shalt  }
0x3e: {  	_ =	shalt  }
0x3f: {  	_ =	shalt  }
0x40: {  	_ =	shalt  }
0x41: {  	_ =	shalt  }
0x42: {  	_ =	shalt  }
0x43: {  	_ =	shalt  }
0x44: {  	_ =	shalt  }
0x45: {  	_ =	shalt  }
0x46: {  	_ =	shalt  }
0x47: {  	_ =	shalt  }
0x48: {  	_ =	shalt  }
0x49: {  	_ =	shalt  }
0x4a: {  	_ =	shalt  }
0x4b: {  	_ =	shalt  }
0x4c: {  	_ =	shalt  }
0x4d: {  	_ =	shalt  }
0x4e: {  	_ =	shalt  }
0x4f: {  	_ =	shalt  }
0x50: {  	_ =	shalt  }
0x51: {  	_ =	shalt  }
0x52: {  	_ =	shalt  }
0x53: {  	_ =	shalt  }
0x54: {  	_ =	shalt  }
0x55: {  	_ =	shalt  }
0x56: {  	_ =	shalt  }
0x57: {  	_ =	shalt  }
0x58: {  	_ =	shalt  }
0x59: {  	_ =	shalt  }
0x5a: {  	_ =	shalt  }
0x5b: {  	_ =	shalt  }
0x5c: {  	_ =	shalt  }
0x5d: {  	_ =	shalt  }
0x5e: {  	_ =	shalt  }
0x5f: {  	_ =	shalt  }
0x60: {  	_ =	shalt  }
0x61: {  	_ =	shalt  }
0x62: {  	_ =	shalt  }
0x63: {  	_ =	shalt  }
0x64: {  	_ =	shalt  }
0x65: {  	_ =	shalt  }
0x66: {  	_ =	shalt  }
0x67: {  	_ =	shalt  }
0x68: {  	_ =	shalt  }
0x69: {  	_ =	shalt  }
0x6a: {  	_ =	shalt  }
0x6b: {  	_ =	shalt  }
0x6c: {  	_ =	shalt  }
0x6d: {  	_ =	shalt  }
0x6e: {  	_ =	shalt  }
0x6f: {  	_ =	shalt  }
0x70: {  	_ =	shalt  }
0x71: {  	_ =	shalt  }
0x72: {  	_ =	shalt  }
0x73: {  	_ =	shalt  }
0x74: {  	_ =	shalt  }
0x75: {  	_ =	shalt  }
0x76: {  	_ =	shalt  }
0x77: {  	_ =	shalt  }
0x78: {  	_ =	shalt  }
0x79: {  	_ =	shalt  }
0x7a: {  	_ =	shalt  }
0x7b: {  	_ =	shalt  }
0x7c: {  	_ =	shalt  }
0x7d: {  	_ =	shalt  }
0x7e: {  	_ =	shalt  }
0x7f: {  	_ =	shalt  }
0x80: {  	_ =	shalt  }
0x81: {  	_ =	shalt  }
0x82: {  	_ =	shalt  }
0x83: {  	_ =	shalt  }
0x84: {  	_ =	shalt  }
0x85: {  	_ =	shalt  }
0x86: {  	_ =	shalt  }
0x87: {  	_ =	shalt  }
.Lfunc_end0:
.L_simem_size_0:
called_computation_lowered:
.L_overlay_start_0:
0x88: {  	s0 =	sld [smem:$0x3FD9]  }
0x89: {  	s1 =	sld [smem:$0x3FFE];
	_ =	sdelay $0x3  }
0x8a: {  	s0 =	sadd.s32 s1, s0  }
0x8b: {  	[smem:$0x3FBD] =	sst s0  }
0x8c: {  	_ = 	snop  }
0x8d: {  	(tm) =	ssettm $0x1  }
0x8e: {  	s15 =	sld [smem:$0x3FFB];
	_ =	sdelay $0x3  }
0x8f: {  	_ =	strace s15  }
0x90: {  	s0 =	sld [smem:$0x3FFC];
	_ =	sdelay $0x3  }
0x91: {  	_ =	strace s0  }
0x92: {  	s0 =	sld [smem:$0x3FFD];
	_ =	sdelay $0x3  }
0x93: {  	_ =	strace s0  }
0x94: {  	_ =	strace $0x8FFFFFFF  }
0x95: {  	s16 =	sld [smem:$0x3FDB];
	_ =	sdelay $0x1  }
0x96: {  	s17 =	simm.s32 $_scs_section_size  }
0x97: {  	s2 =	simm.s32 $_size__tile_overlayer_lowered;
	s3 =	simm.s32 $_tile_overlayer_lowered  }
0x98: {  	s20 =	simm.s32 $0x1BFF;
	s19 =	sshll.u32 s3, $0x1;
	s0 =	sadd.s32 s17, s16  }
0x99: {  	s4 =	simm.s32 $0x0;
	s18 =	sshll.u32 s2, $0x1;
	s2 =	sadd.s32 s19, s0  }
0x9a: {  	[timem:s4], [sflag:s20] =	dma.local [hbm:s2], s18  }
0x9b: {  	_ =	swait.ge [sflag:s20], s18  }
0x9c: {  	s1 =	ssub.s32 $0x0, s18;
	[sflag:s20] =	ssyncset.done $0x0  }
0x9d: {  	[sflag:s20] =	ssyncadd.s32 s1;
	_ =	sdelay $0x1  }
0x9e: {  	s21 =	simm.s32 $0x1B8B  }
0x9f: {  	_ =	swait.ge [sflag:s21], $0x1  }
0xa0: {  	[sflag:s21] =	ssyncset.done $0x0  }
0xa1: {  	s23 =	simm.s32 $0x1B8E;
	s22 =	sld [smem:$0x3FFE];
	[sflag:s21] =	ssyncadd.s32 $0xFFFFFFFF  }
0xa2: {  	s24 =	simm.s32 $execute0_lowered;
	[smem:$0x3FD2] =	sst s23  }
0xa3: {  	s2 =	sshll.u32 s24, $0x1;
	_ =	strace $0x80000046;
	[dreg:$0x1] =	wrdreg $0xFFFFFFFF  }
0xa4: {  	s25 =	simm.s32 $_size_execute0_lowered;
	s0 =	sadd.s32 s0, s2;
	[dreg:$0x0] =	wrdreg $0x0  }
0xa5: {  	s2 =	sshll.u32 s25, $0x1;
	[dreg:$0x2] =	wrdreg s0  }
0xa6: {  	[dreg:$0x3] =	wrdreg s2  }
0xa7: {  	[dreg:$0x4] =	wrdreg $0xC0  }
0xa8: {  	_ =	task [dreg:s4], $0x5FFFF  }
0xa9: {  	[dreg:$0x1] =	wrdreg $0xFFFFFFFF  }
0xaa: {  	[dreg:$0x0] =	wrdreg $0x60  }
0xab: {  	[dreg:$0x2] =	wrdreg s22  }
0xac: {  	[dreg:$0x3] =	wrdreg $0x9  }
0xad: {  	_ =	task.clear_ibuf [dreg:s4], $0x4FFFF;
	_ =	strace $0x90000046  }
0xae: {  	s26 =	simm.s32 $0x9;
	_ =	strace $0x80000048  }
0xaf: {  	_ =	swait.ge [sflag:s26], $0x1  }
0xb0: {  	[sflag:s26] =	ssyncadd.s32 $0xFFFFFFFF  }
0xb1: {  	_ =	strace $0x90000048  }
0xb2: {  	_ =	sfence  }
0xb3: {  	s28 =	sld [smem:$0x0];
	_ =	sdelay $0x1  }
0xb4: {  	s29 =	srdreg.scid  }
0xb5: {  	s30 =	sshll.u32 s29, $0xD;
	s31 =	sshrl.u32 s29, $0x2  }
0xb6: {  	s1 =	sand.u32 $0x1, s29;
	s2 =	sand.u32 $0x4000, s30;
	s0 =	sadd.s32 s31, s28  }
0xb7: {  	s1 =	sor.u32 s2, s1;
	s0 =	sshll.u32 s0, $0x11  }
0xb8: {  	s0 =	sor.u32 s0, s1  }
0xb9: {  	s0 =	sadd.s32 $0x8F2B, s0  }
0xba: {  	[sflag:s0] =	ssyncadd.remote.s32 $0x1  }
0xbb: {  	_ =	sfence.sel $0xFFFF  }
0xbc: {  	[dreg:$0x0] =	wrdreg $0xFFFFFFFF;
	(pc) =	sbr.abs _section_cstart, $3  }
0xbd: {  	[dreg:$0x1] =	wrdreg $0xFFFFFFFF  }
0xbe: {  	_ =	task.clear_ibuf [dreg:s4], $0x2FFFF;
	_ =	strace $0x9FFFFFFF  }
0xbf: {  	(tm) =	ssettm $0x7FFFFFFF  }
tec
execute0_lowered:
.L_overlay_start_1:
0x0: {  	(tag) =	ssettag $0x1  }
0x1: {  	s0 =	stileid.u32  }
0x2: {  	s1 =	smin.u32 s0, $0x9  }
0x3: {  	s1 =	sadd.s32 s0, s1  }
0x4: {  	s2 =	simm.s32 $0x320;
	p0 =	slt.u32 s0, $0x9;
	s1 =	smul.u32 $0x190, s1  }
0x5: {  	s2 =	simm.s32 @!p0 $0x190  }
0x6: {  	s2 =	sadd.s32 s2, s1  }
0x7: {  	s3 =	smin.u32 s2, $0x2710  }
0x8: {  	s7 =	ssub.s32 s3, s1  }
0x9: {  	p0 =	sgt.s32 s7, $0x0  }
0xa: {  	s7 =	simm.s32 @!p0 $0x0  }
0xb: {  	s31 =	sand.u32 $0xFFF0, s7  }
0xc: {  	s2 =	sshrl.u32 s31, $0x4  }
0xd: {  	s2 =	smul.u32 $0xA3E, s2  }
0xe: {  	s4 =	rddreg [dreg:$0x0];
	s6 =	simm.s32 $0x1  }
0xf: {  	s10 =	simm.s32 $0x3;
	s13 =	simm.s32 $0x0;
	s8 =	sshrl.u32 s2, $0x10  }
0x10: {  	s12 =	simm.s32 $0x0;
	s5 =	sadd.s32 $0x27200, s4;
	s9 =	smul.u32 $0x190, s8  }
.Ltmp0:
0x11: {  	s11 =	smov.u32 s1;
	s2 =	rddreg [dreg:$0x1];
	(pc) =	sbr.rel .LBB2_1-.Ltmp0, $4  }
0x12: {  	_ =	strace $0x80000047;
	p0 =	sne.s32 s7, s9;
	s9 =	simm.s32 $0x1  }
0x13: {  	[sflag:s6] =	ssyncpa.u1 $0x0;
	s7 =	simm.s32 $0x2;
	s9 =	simm.s32 @!p0 $0x0  }
0x14: {  	[sflag:s7] =	ssyncpa.u1 $0x0;
	p0 =	por $0x0, $0x0;
	s8 =	sadd.s32 s8, s9  }
0x15: {  	vm0 =	vmmov $0xff;
	vm1 =	vcmask $0x3F20;
	s9 =	sadd.s32 $0x27800, s4;
	[sflag:s10] =	ssyncpa.u1 $0x0;
	s10 =	sadd.s32 $0x1, s8  }
.LBB2_6:
0x16: {  	[hbm:s17] =	stream.linear.scatter [tilespmem:s14], [sflag:$0x3], $0x400, $0x38;
	[tilespmem:$0x19320] =	vst v63  }
.LBB2_7:
0x17: {  	s13 =	sadd.s32 $0x190, s11  }
0x18: {  	s15 =	smov.u32 s1;
	p2 =	slt.s32 s13, s3  }
0x19: {  	s15 =	smov.u32 @p2 s13;
	p2 =	sne.s32 s12, s10  }
.Ltmp1:
0x1a: {  	p1 =	slt.u32 s12, $0x2;
	(pc) =	sbr.rel @!p2 .LBB2_8-.Ltmp1, $4  }
0x1b: {  	s14 =	simm.s32 @!p1 $0x3  }
0x1c: {  	s16 =	sadd.s32 $0x1, s12;
	_ =	swait.ge @!p1 [sflag:s14], $0xC800  }
0x1d: {  	p0 =	por !p0, !p0;
	s13 =	smov.u32 s11;
	[sflag:s14] =	ssyncset.done @!p1 $0x0  }
0x1e: {  	s12 =	smov.u32 s16;
	s11 =	smov.u32 s15;
	[sflag:s14] =	ssyncadd.s32 @!p1 $0xFFFF3800  }
.LBB2_1:
0x1f: {  	p1 =	sge.u32 s12, s8  }
0x20: {  	s14 =	sxor.u32 @!p1 $0xFFFFFFFF, s12  }
0x21: {  	s14 =	sand.u32 @!p1 $0x1, s14  }
0x22: {  	s14 =	smul.u32 @!p1 $0x640, s14  }
0x23: {  	s31 =	sadd.s32 $0xFFFFFFFF, s12;
	s15 =	sshrl.u32 @!p1 s11, $0x3  }
0x24: {  	s16 =	sand.u32 @!p1 $0x7, s11;
	s15 =	sadd.s32 @!p1 s5, s15;
	s14 =	sshrl.u32 @!p1 s14, $0x2  }
0x25: {  	[tilespmem:s14], [sflag:$0x2] =	stream.linear.gather @!p1 [hbm4b:s15+s16], $0x190, $0x38;
	[tilespmem:$0x19320] =	vst v63  }
0x26: {  	p1 =	sge.u32 s31, s8  }
.Ltmp2:
0x27: {  	_ = 	snop;
	(pc) =	sbr.rel @p1 .LBB2_7-.Ltmp2, $1  }
0x28: {  	_ =	sdelay $0x3  }
0x29: {  	s14 =	simm.s32 $0x1  }
0x2a: {  	s14 =	simm.s32 @!p0 $0x0  }
0x2b: {  	s15 =	smul.u32 $0x640, s14  }
0x2c: {  	_ =	swait.ge [sflag:s7], $0x190  }
0x2d: {  	[sflag:s7] =	ssyncset.done $0x0;
	s16 =	sshrl.u32 s15, $0x2  }
0x2e: {  	[sflag:s7] =	ssyncadd.s32 $0xFFFFFE70;
	s15 =	sadd.s32 $0x0, s16  }
0x2f: {  	v0 =	vld.msk [tilespmem:s15+$0x0 ss:$0x1], $0xffff;
	_ =	sdelay $0x4  }
0x30: {  	vm2 =	vgt.s32 v0, $0x0  }
0x31: {  	v0 =	vnsel vm2, $0x0, v0  }
0x32: {  	v0 =	vmin.u32 v0, $0x270F  }
0x33: {  	v0 =	vshll.u32 v0, $0x4  }
0x34: {  	s14 =	smul.u32 $0x32000, s14;
	_ =	sdelay $0x1  }
0x35: {  	s14 =	sshrl.u32 s14, $0x2  }
0x36: {  	s14 =	sor.u32 $0x320, s14  }
0x37: {  	[tilespmem:s14], [sflag:$0x1] =	stream.indirect_vreg.gather [hbm:s4], $0x80, v0, vm0, $0x38;
	[tilespmem:$0x19320] =	vst v63  }
0x38: {  	s17 =	sadd.s32 $0x10, s16;
	s15 =	sadd.s32 $0x400, s14  }
0x39: {  	[tilespmem:s15], [sflag:$0x1] =	stream.indirect_vreg.gather [hbm:s4], $0x80, v0, vm1, $0x38;
	[tilespmem:$0x19320] =	vst v63  }
0x3a: {  	s18 =	simm.s32 $0x80;
	v0 =	vld.msk [tilespmem:s17+$0x0 ss:$0x1], $0xffff;
	s17 =	smov.u32 s14  }
.LBB2_3:
0x3b: {  	p1 =	sne.s32 s18, $0x600;
	_ =	sdelay $0x4  }
0x3c: {  	vm2 =	vgt.s32 v0, $0x0  }
0x3d: {  	v0 =	vnsel vm2, $0x0, v0  }
0x3e: {  	v0 =	vmin.u32 v0, $0x270F  }
0x3f: {  	v0 =	vshll.u32 v0, $0x4;
	_ =	sdelay $0x3  }
.Ltmp3:
0x40: {  	s19 =	sshra.s32 s18, $0x2;
	s17 =	sadd.s32 $0x800, s17;
	(pc) =	sbr.rel @p1 .LBB2_3-.Ltmp3, $4  }
0x41: {  	[tilespmem:s17], [sflag:$0x1] =	stream.indirect_vreg.gather [hbm:s4], $0x80, v0, vm0, $0x38;
	[tilespmem:$0x19320] =	vst v63  }
0x42: {  	s19 =	sadd.s32 s19, s16;
	s20 =	sadd.s32 $0x400, s17  }
0x43: {  	[tilespmem:s20], [sflag:$0x1] =	stream.indirect_vreg.gather [hbm:s4], $0x80, v0, vm1, $0x38;
	[tilespmem:$0x19320] =	vst v63  }
0x44: {  	s18 =	sadd.s32 $0x40, s18;
	v0 =	vld.msk [tilespmem:s19+$0x0 ss:$0x1], $0xffff  }
0x45: {  	_ =	sdelay $0x3  }
0x46: {  	vm2 =	vgt.s32 v0, $0x0  }
0x47: {  	v0 =	vnsel vm2, $0x0, v0  }
0x48: {  	v0 =	vmin.u32 v0, $0x270F  }
0x49: {  	v0 =	vshll.u32 v0, $0x4;
	_ =	sdelay $0x3  }
0x4a: {  	s16 =	sadd.s32 $0x800, s17  }
0x4b: {  	[tilespmem:s16], [sflag:$0x1] =	stream.indirect_vreg.gather [hbm:s4], $0x80, v0, vm0, $0x38;
	[tilespmem:$0x19320] =	vst v63  }
0x4c: {  	s16 =	sadd.s32 $0x400, s16  }
0x4d: {  	[tilespmem:s16], [sflag:$0x1] =	stream.indirect_vreg.gather [hbm:s4], $0x80, v0, vm1, $0x38;
	[tilespmem:$0x19320] =	vst v63  }
0x4e: {  	s13 =	sshll.u32 s13, $0x4;
	_ =	swait.ge [sflag:s6], $0xC800  }
0x4f: {  	s13 =	sadd.s32 s13, s9;
	[sflag:s6] =	ssyncset.done $0x0  }
0x50: {  	s17 =	sadd.s32 $0x0, s13;
	s16 =	simm.s32 $0x80;
	[sflag:s6] =	ssyncadd.s32 $0xFFFF3800  }
.LBB2_5:
0x51: {  	[hbm:s17] =	stream.linear.scatter [tilespmem:s14], [sflag:$0x3], $0x400, $0x38;
	[tilespmem:$0x19320] =	vst v63  }
0x52: {  	s17 =	smov.u32 s16;
	s14 =	smov.u32 s15;
	p1 =	sne.s32 s16, $0x1880  }
.Ltmp4:
0x53: {  	s16 =	sadd.s32 $0x80, s16;
	(pc) =	sbr.rel @p1 .LBB2_5-.Ltmp4, $2  }
0x54: {  	_ =	sdelay $0x2  }
0x55: {  	s15 =	sadd.s32 $0x400, s15;
	s17 =	sadd.s32 s17, s13  }
.Ltmp5:
0x56: {  	_ = 	snop;
	(pc) =	sbr.rel .LBB2_6-.Ltmp5, $1  }
0x57: {  	_ =	sdelay $0x3  }
.LBB2_8:
0x58: {  	_ =	sfence.sel $0x180000  }
0x59: {  	s1 =	simm.s32 $0x2;
	[bflag:$0x0] =	sbarrier.arrive $0xFFFF  }
0x5a: {  	s30 =	simm.s32 $0x3;
	[sflag:s1] =	ssyncpa.u1 $0x1  }
0x5b: {  	s31 =	simm.s32 $0x1;
	[sflag:s30] =	ssyncpa.u1 $0x1  }
0x5c: {  	[sflag:s31] =	ssyncpa.u1 $0x1  }
0x5d: {  	p0 =	sne.s32 s0, $0x0;
	_ =	strace $0x90000047  }
0x5e: {  	s0 =	sadd.s32 @!p0 $0x100000, s2;
	[bflag:$0x2] =	sbarrier.arrive $0xFFFF  }
0x5f: {  	[sflag:s0] =	ssyncadd.tile.s32 @!p0 $0x1;
	_ =	shalt  }
.Lfunc_end2:
_tile_overlayer_lowered:
.L_overlay_start_2:
0x60: {  	(tag) =	ssettag $0x2  }
0x61: {  	s0 =	rddreg [dreg:$0x0];
	s2 =	stileid.u32  }
0x62: {  	s1 =	rddreg [dreg:$0x1];
	p0 =	sne.s32 s2, $0x0  }
0x63: {  	s3 =	rddreg [dreg:$0x2];
	[bflag:$0x3] =	sbarrier.arrive $0xFFFF;
	s2 =	simm.s32 @!p0 $0x1C01  }
0x64: {  	[timem:s3], [sflag:s2] =	dma.local @!p0 [hbm:s0], s1  }
0x65: {  	s0 =	simm.s32 @!p0 $0x1  }
0x66: {  	_ =	swait.ge @!p0 [sflag:s0], s1  }
0x67: {  	s1 =	ssub.s32 @!p0 $0x0, s1;
	[sflag:s0] =	ssyncset.done @!p0 $0x0  }
0x68: {  	[sflag:s0] =	ssyncadd.s32 @!p0 s1  }
0x69: {  	[bflag:$0x3] =	sbarrier.arrive $0xFFFF  }
0x6a: {  	_ =	shalt  }

</sc_bundles>
